<compile_context>
chip_gen: v7x
topology: tpu7x:2x2x1
jax: 0.10.2.dev20260603
libtpu: 0.0.44.dev20260713+nightly
codegen_flags: <defaults>
</compile_context>

<pallas_src>
import functools

import jax
import jax.numpy as jnp
from jax import lax
from jax.experimental import pallas as pl
from jax.experimental.pallas import tpu as pltpu
from jax.experimental.pallas import tpu_sc as plsc

_N = 36864
_D = 64
_K = 1024
_CC = 0.25
_BLK = 9216
_GRID = _N // _BLK

_NC = 2
_NS = 16
_NW = _NC * _NS
_BPW = _N // _NW
_L = 16


def _tc_body(xt_ref, w_ref, qt_ref, idx_ref, loss_ref, wsq_ref, iota_ref,
             acc_ref):
    i = pl.program_id(0)
    w = w_ref[...]

    @pl.when(i == 0)
    def _init():
        wsq_ref[...] = jnp.sum(w * w, axis=1, keepdims=True)
        iota_ref[...] = lax.broadcasted_iota(
            jnp.int32, (_K, 1), 0).astype(jnp.float32)
        acc_ref[...] = jnp.zeros_like(acc_ref)

    xt = xt_ref[...]
    xsq = jnp.sum(xt * xt, axis=0, keepdims=True)
    dots2 = lax.dot_general(
        w + w, xt, (((1,), (0,)), ((), ())),
        preferred_element_type=jnp.float32)
    d = (xsq + wsq_ref[...]) - dots2
    mind = jnp.min(d, axis=0, keepdims=True)
    iota = iota_ref[...] + jnp.zeros((_K, _BLK), jnp.float32)
    idxf = jnp.min(jnp.where(d == mind, iota, float(_K)), axis=0,
                   keepdims=True)
    idx_ref[...] = idxf.astype(jnp.int32).reshape(_BLK)

    oh = jnp.where(iota == idxf, 1.0, 0.0)
    qt_ref[...] = lax.dot_general(
        w, oh, (((0,), (0,)), ((), ())),
        preferred_element_type=jnp.float32)
    acc_ref[...] += jnp.sum(mind, axis=1, keepdims=True)

    @pl.when(i == _GRID - 1)
    def _fin():
        mse = acc_ref[...] * (1.0 / (_N * _D))
        loss_ref[...] = mse + _CC * mse


_tc_quantize = pl.pallas_call(
    _tc_body,
    grid=(_GRID,),
    in_specs=[
        pl.BlockSpec((_D, _BLK), lambda i: (0, i)),
        pl.BlockSpec((_K, _D), lambda i: (0, 0)),
    ],
    out_specs=[
        pl.BlockSpec((_D, _BLK), lambda i: (0, i)),
        pl.BlockSpec((_BLK,), lambda i: (i,)),
        pl.BlockSpec((1, 1), lambda i: (0, 0)),
    ],
    out_shape=[
        jax.ShapeDtypeStruct((_D, _N), jnp.float32),
        jax.ShapeDtypeStruct((_N,), jnp.int32),
        jax.ShapeDtypeStruct((1, 1), jnp.float32),
    ],
    scratch_shapes=[
        pltpu.VMEM((_K, 1), jnp.float32),
        pltpu.VMEM((_K, 1), jnp.float32),
        pltpu.VMEM((1, 1), jnp.float32),
    ],
    compiler_params=pltpu.CompilerParams(
        vmem_limit_bytes=120 * 1024 * 1024),
)


@functools.cache
def _make_sc_hist():
    mesh = plsc.VectorSubcoreMesh(core_axis_name="c", subcore_axis_name="s")

    @functools.partial(
        pl.kernel,
        mesh=mesh,
        out_type=jax.ShapeDtypeStruct((_NW, _K), jnp.float32),
        scratch_types=[
            pltpu.VMEM((_BPW,), jnp.int32),
            pltpu.VMEM((_K,), jnp.float32),
        ],
        compiler_params=pltpu.CompilerParams(use_tc_tiling_on_sc=False,
                                             needs_layout_passes=False),
    )
    def _sc_hist(idx_hbm, out_hbm, idx_v, hist_v):
        cid = lax.axis_index("c")
        sid = lax.axis_index("s")
        wid = sid * _NC + cid
        pltpu.sync_copy(idx_hbm.at[pl.ds(wid * _BPW, _BPW)], idx_v)

        def _zero(j, carry):
            hist_v[pl.ds(j * _L, _L)] = jnp.zeros((_L,), jnp.float32)
            return carry
        lax.fori_loop(0, _K // _L, _zero, 0)

        ones = jnp.ones((_L,), jnp.float32)

        def _accum(j, carry):
            ii = idx_v[pl.ds(j * _L, _L)]
            plsc.addupdate_scatter(hist_v, [ii], ones)
            return carry
        lax.fori_loop(0, _BPW // _L, _accum, 0)

        pltpu.sync_copy(hist_v, out_hbm.at[wid])

    return _sc_hist


def _perp_body(cnt_ref, perp_ref):
    c = cnt_ref[...]
    p = jnp.sum(c, axis=0, keepdims=True) * (1.0 / _N)
    ent = jnp.sum(p * jnp.log(p + 1e-10), axis=1, keepdims=True)
    perp_ref[...] = jnp.exp(-ent)


_perp = pl.pallas_call(
    _perp_body,
    out_shape=jax.ShapeDtypeStruct((1, 1), jnp.float32),
)


def kernel(inputs, W):
    qt, idx, loss11 = _tc_quantize(inputs.T, W)
    cnt = _make_sc_hist()(idx)
    perp11 = _perp(cnt)
    return (qt.T, loss11[0, 0], perp11[0, 0], idx)

# --- scband reference (transcript-rebuilt; emitter-appended) ---
"""Pipeline reference for scband-vector-quantizer-51024211476941 (READ-ONLY COPY).

The authoritative reference and input builder live on the scoring server;
editing this copy changes nothing except your own understanding.
"""

import jax, jax.numpy as jnp
import numpy as np

NUM_EMBEDDINGS = 1024
EMBEDDING_DIM = 64
COMMITMENT_COST = 0.25
N_TOKENS = 36864


def setup_inputs(seed: int = 0) -> dict:
    key = jax.random.key(seed)
    k1, k2 = jax.random.split(key)
    inputs = jax.random.normal(k1, (N_TOKENS, EMBEDDING_DIM), dtype=jnp.float32)
    W = jax.random.uniform(k2, (NUM_EMBEDDINGS, EMBEDDING_DIM), dtype=jnp.float32,
                           minval=-1.0 / NUM_EMBEDDINGS, maxval=1.0 / NUM_EMBEDDINGS)
    return {"inputs": inputs, "W": W}


def reference(inputs, W):
    # distances[n, k] = ||x_n||^2 + ||w_k||^2 - 2 x_n . w_k
    distances = (jnp.sum(inputs ** 2, axis=1, keepdims=True)
                 + jnp.sum(W ** 2, axis=1)
                 - 2.0 * jnp.matmul(inputs, W.T))
    encoding_indices = jnp.argmin(distances, axis=1)
    encodings = jax.nn.one_hot(encoding_indices, NUM_EMBEDDINGS, dtype=jnp.float32)
    quantized = jnp.matmul(encodings, W)
    e_latent_loss = jnp.mean((inputs - jax.lax.stop_gradient(quantized)) ** 2)
    q_latent_loss = jnp.mean((quantized - jax.lax.stop_gradient(inputs)) ** 2)
    loss = q_latent_loss + COMMITMENT_COST * e_latent_loss
    quantized_st = inputs + jax.lax.stop_gradient(quantized - inputs)
    avg_probs = jnp.mean(encodings, axis=0)
    perplexity = jnp.exp(-jnp.sum(avg_probs * jnp.log(avg_probs + 1e-10)))
    return (quantized_st, loss, perplexity, encoding_indices)

if __name__ == "__main__":
    import jax
    _d = setup_inputs()
    print(jax.jit(kernel)(*tuple(_d.values())))

</pallas_src>

<mosaic_0001>
#map = affine_map<(d0, d1) -> (0)>
#map1 = affine_map<(d0, d1) -> (0, 0)>
module attributes {stable_mosaic.version = 14 : i64} {
  func.func @_sc_hist(%arg0: i32, %arg1: i32, %arg2: memref<36864xi32, #tpu.memory_space<hbm>>, %arg3: memref<32x1024xf32, #tpu.memory_space<hbm>>, %arg4: memref<1152xi32, #tpu.memory_space<vmem>>, %arg5: memref<1024xf32, #tpu.memory_space<vmem>>) attributes {dimension_semantics = [#tpu.dimension_semantics<core_parallel>, #tpu.dimension_semantics<subcore_parallel>], iteration_bounds = array<i64: 2, 16>, scalar_prefetch = 0 : i64, scratch_operands = 2 : i64, tpu.core_type = #tpu.core_type<sc_vector_subcore>, window_params = [{transform_indices = #map}, {transform_indices = #map1}]} {
    %mul3A = arith.constant 2 : i32
    %mul3A_0 = arith.muli %arg1, %mul3A : i32
    %add3A = arith.addi %mul3A_0, %arg0 : i32
    %mul3A_1 = arith.constant 1152 : i32
    %mul3A_2 = arith.muli %add3A, %mul3A_1 : i32
    "tpu.region"() ({
      %run_scoped3A = tpu.sem_alloc : memref<!tpu.dma_semaphore, #tpu.memory_space<semaphore_mem>>
      %dma_start3A = tpu.memref_slice %arg2[%mul3A_2] : memref<36864xi32, #tpu.memory_space<hbm>> -> memref<1152xi32, #tpu.memory_space<hbm>>
      %dma_start3A_15 = tpu.memref_slice %arg2[%mul3A_2] : memref<36864xi32, #tpu.memory_space<hbm>> -> memref<1152xi32, #tpu.memory_space<hbm>>
      tpu.enqueue_dma source(%dma_start3A_15 : memref<1152xi32, #tpu.memory_space<hbm>>) target(%arg4 : memref<1152xi32, #tpu.memory_space<vmem>>) target_semaphore(%run_scoped3A : memref<!tpu.dma_semaphore, #tpu.memory_space<semaphore_mem>>)
      %dma_wait3A = tpu.memref_slice %arg2[%mul3A_2] : memref<36864xi32, #tpu.memory_space<hbm>> -> memref<1152xi32, #tpu.memory_space<hbm>>
      %dma_wait3A_16 = tpu.memref_slice %arg2[%mul3A_2] : memref<36864xi32, #tpu.memory_space<hbm>> -> memref<1152xi32, #tpu.memory_space<hbm>>
      tpu.wait_dma2 semaphore(%run_scoped3A : memref<!tpu.dma_semaphore, #tpu.memory_space<semaphore_mem>>) src(%dma_wait3A_16 : memref<1152xi32, #tpu.memory_space<hbm>>) dst(%arg4 : memref<1152xi32, #tpu.memory_space<vmem>>)
      tpu.yield
    }) : () -> ()
    %scan3A = arith.constant 0 : i32
    %scan3A_3 = arith.constant 0 : i32
    %scan3A_4 = arith.constant 64 : i32
    %scan3A_5 = arith.addi %scan3A_3, %scan3A_4 : i32
    %scan3A_6 = arith.constant 1 : i32
    scf.for %scan3A_15 = %scan3A_3 to %scan3A_5 step %scan3A_6  : i32 {
      %broadcast_in_dim3A_16 = arith.constant 0.000000e+00 : f32
      %broadcast_in_dim3A_17 = vector.broadcast %broadcast_in_dim3A_16 : f32 to vector<16xf32>
      %mul3A_18 = arith.constant 16 : i32
      %mul3A_19 = arith.muli %scan3A_15, %mul3A_18 : i32
      %swap3A = arith.index_cast %mul3A_19 : i32 to index
      %swap3A_20 = tpu.vector_load %arg5[%swap3A] {strides = array<i32>} : memref<1024xf32, #tpu.memory_space<vmem>>, vector<16xf32>,
      tpu.vector_store %arg5[%swap3A], %broadcast_in_dim3A_17 {strides = array<i32>} : memref<1024xf32, #tpu.memory_space<vmem>>, vector<16xf32>,
    }
    %scan3A_7 = arith.constant 64 : i32
    %broadcast_in_dim3A = arith.constant 1.000000e+00 : f32
    %broadcast_in_dim3A_8 = vector.broadcast %broadcast_in_dim3A : f32 to vector<16xf32>
    %scan3A_9 = arith.constant 0 : i32
    %scan3A_10 = arith.constant 0 : i32
    %scan3A_11 = arith.constant 72 : i32
    %scan3A_12 = arith.addi %scan3A_10, %scan3A_11 : i32
    %scan3A_13 = arith.constant 1 : i32
    scf.for %scan3A_15 = %scan3A_10 to %scan3A_12 step %scan3A_13  : i32 {
      %mul3A_16 = arith.constant 16 : i32
      %mul3A_17 = arith.muli %scan3A_15, %mul3A_16 : i32
      %get3A = arith.index_cast %mul3A_17 : i32 to index
      %get3A_18 = tpu.vector_load %arg4[%get3A] {strides = array<i32>} : memref<1152xi32, #tpu.memory_space<vmem>>, vector<16xi32>,
      tpu.vector_store_idx %arg5[%get3A_18], %broadcast_in_dim3A_8 {add = true} : memref<1024xf32, #tpu.memory_space<vmem>>[vector<16xi32>], vector<16xf32>,
    }
    %scan3A_14 = arith.constant 72 : i32
    "tpu.region"() ({
      %run_scoped3A = tpu.sem_alloc : memref<!tpu.dma_semaphore, #tpu.memory_space<semaphore_mem>>
      %dma_start3A = arith.constant 0 : i32
      %dma_start3A_15 = tpu.memref_slice %arg3[%add3A, %dma_start3A] : memref<32x1024xf32, #tpu.memory_space<hbm>> -> memref<1x1024xf32, #tpu.memory_space<hbm>>
      %dma_start3A_16 = tpu.memref_squeeze %dma_start3A_15 : memref<1x1024xf32, #tpu.memory_space<hbm>> -> memref<1024xf32, #tpu.memory_space<hbm>>
      %dma_start3A_17 = arith.constant 0 : i32
      %dma_start3A_18 = tpu.memref_slice %arg3[%add3A, %dma_start3A_17] : memref<32x1024xf32, #tpu.memory_space<hbm>> -> memref<1x1024xf32, #tpu.memory_space<hbm>>
      %dma_start3A_19 = tpu.memref_squeeze %dma_start3A_18 : memref<1x1024xf32, #tpu.memory_space<hbm>> -> memref<1024xf32, #tpu.memory_space<hbm>>
      tpu.enqueue_dma source(%arg5 : memref<1024xf32, #tpu.memory_space<vmem>>) target(%dma_start3A_19 : memref<1024xf32, #tpu.memory_space<hbm>>) target_semaphore(%run_scoped3A : memref<!tpu.dma_semaphore, #tpu.memory_space<semaphore_mem>>)
      %dma_wait3A = arith.constant 0 : i32
      %dma_wait3A_20 = tpu.memref_slice %arg3[%add3A, %dma_wait3A] : memref<32x1024xf32, #tpu.memory_space<hbm>> -> memref<1x1024xf32, #tpu.memory_space<hbm>>
      %dma_wait3A_21 = tpu.memref_squeeze %dma_wait3A_20 : memref<1x1024xf32, #tpu.memory_space<hbm>> -> memref<1024xf32, #tpu.memory_space<hbm>>
      %dma_wait3A_22 = arith.constant 0 : i32
      %dma_wait3A_23 = tpu.memref_slice %arg3[%add3A, %dma_wait3A_22] : memref<32x1024xf32, #tpu.memory_space<hbm>> -> memref<1x1024xf32, #tpu.memory_space<hbm>>
      %dma_wait3A_24 = tpu.memref_squeeze %dma_wait3A_23 : memref<1x1024xf32, #tpu.memory_space<hbm>> -> memref<1024xf32, #tpu.memory_space<hbm>>
      tpu.wait_dma2 semaphore(%run_scoped3A : memref<!tpu.dma_semaphore, #tpu.memory_space<semaphore_mem>>) src(%arg5 : memref<1024xf32, #tpu.memory_space<vmem>>) dst(%dma_wait3A_24 : memref<1024xf32, #tpu.memory_space<hbm>>)
      tpu.yield
    }) : () -> ()
    return
  }
}

module attributes {stable_mosaic.version = 14 : i64} {
  func.func @_perp_body(%arg0: memref<32x1024xf32, #tpu.memory_space<vmem>>, %arg1: memref<1x1xf32, #tpu.memory_space<vmem>>) attributes {dimension_semantics = [], scalar_prefetch = 0 : i64, scratch_operands = 0 : i64, tpu.core_type = #tpu.core_type<tc>} {
    %get3A = arith.constant 0 : index
    %get3A_0 = arith.constant 0 : index
    %get3A_1 = vector.load %arg0[%get3A, %get3A_0] : memref<32x1024xf32, #tpu.memory_space<vmem>>, vector<32x1024xf32>
    %reduce_sum3A = arith.constant dense<0.000000e+00> : vector<1024xf32>
    %reduce_sum3A_2 = vector.multi_reduction <add>, %get3A_1, %reduce_sum3A [0] : vector<32x1024xf32> to vector<1024xf32>
    %broadcast_in_dim3A = vector.shape_cast %reduce_sum3A_2 : vector<1024xf32> to vector<1x1024xf32>
    %mul3A = arith.constant 2.71267363E-5 : f32
    %mul3A_3 = vector.broadcast %mul3A : f32 to vector<1x1024xf32>
    %mul3A_4 = arith.mulf %broadcast_in_dim3A, %mul3A_3 : vector<1x1024xf32>
    %add3A = arith.constant 1.000000e-10 : f32
    %add3A_5 = vector.broadcast %add3A : f32 to vector<1x1024xf32>
    %add3A_6 = arith.addf %mul3A_4, %add3A_5 : vector<1x1024xf32>
    %log3A = math.log %add3A_6 : vector<1x1024xf32>
    %mul3A_7 = arith.mulf %mul3A_4, %log3A : vector<1x1024xf32>
    %reduce_sum3A_8 = arith.constant dense<0.000000e+00> : vector<1xf32>
    %reduce_sum3A_9 = vector.multi_reduction <add>, %mul3A_7, %reduce_sum3A_8 [1] : vector<1x1024xf32> to vector<1xf32>
    %broadcast_in_dim3A_10 = vector.shape_cast %reduce_sum3A_9 : vector<1xf32> to vector<1x1xf32>
    %neg3A = arith.constant 0.000000e+00 : f32
    %neg3A_11 = vector.broadcast %neg3A : f32 to vector<1x1xf32>
    %neg3A_12 = arith.subf %neg3A_11, %broadcast_in_dim3A_10 : vector<1x1xf32>
    %exp3A = math.exp %neg3A_12 : vector<1x1xf32>
    %swap3A = arith.constant 0 : index
    %swap3A_13 = arith.constant 0 : index
    %swap3A_14 = vector.load %arg1[%swap3A, %swap3A_13] : memref<1x1xf32, #tpu.memory_space<vmem>>, vector<1x1xf32>
    tpu.vector_store %arg1[%swap3A, %swap3A_13], %exp3A {strides = array<i32>} : memref<1x1xf32, #tpu.memory_space<vmem>>, vector<1x1xf32>,
    return
  }
}

module attributes {stable_mosaic.version = 14 : i64} {
  func.func @_tc_body(%arg0: i32, %arg1: memref<64x9216xf32, #tpu.memory_space<vmem>>, %arg2: memref<1024x64xf32, #tpu.memory_space<vmem>>, %arg3: memref<64x9216xf32, #tpu.memory_space<vmem>>, %arg4: memref<9216xi32, #tpu.memory_space<vmem>>, %arg5: memref<1x1xf32, #tpu.memory_space<vmem>>, %arg6: memref<1024x1xf32, #tpu.memory_space<vmem>>, %arg7: memref<1024x1xf32, #tpu.memory_space<vmem>>, %arg8: memref<1x1xf32, #tpu.memory_space<vmem>>) attributes {dimension_semantics = [#tpu.dimension_semantics<arbitrary>], iteration_bounds = array<i64: 4>, scalar_prefetch = 0 : i64, scratch_operands = 3 : i64, tpu.core_type = #tpu.core_type<tc>, window_params = [{transform_indices = @transform_0, window_bounds = array<i64: 64, 9216>}, {pipeline_mode = #tpu.pipeline_mode<synchronous>, transform_indices = @transform_1, window_bounds = array<i64: 1024, 64>}, {transform_indices = @transform_2, window_bounds = array<i64: 64, 9216>}, {transform_indices = @transform_3, window_bounds = array<i64: 9216>}, {pipeline_mode = #tpu.pipeline_mode<synchronous>, transform_indices = @transform_4, window_bounds = array<i64: 1, 1>}]} {
    %get3A = arith.constant 0 : index
    %get3A_0 = arith.constant 0 : index
    %get3A_1 = vector.load %arg2[%get3A, %get3A_0] : memref<1024x64xf32, #tpu.memory_space<vmem>>, vector<1024x64xf32>
    %eq3A = arith.constant 0 : i32
    %eq3A_2 = arith.cmpi eq, %arg0, %eq3A : i32
    %convert_element_type3A = arith.extui %eq3A_2 : i1 to i32
    %cond3A = arith.constant 0 : i32
    %cond3A_3 = arith.cmpi ne, %convert_element_type3A, %cond3A : i32
    scf.if %cond3A_3 {
      %mul3A_59 = arith.mulf %get3A_1, %get3A_1 : vector<1024x64xf32>
      %reduce_sum3A_60 = arith.constant dense<0.000000e+00> : vector<1024xf32>
      %reduce_sum3A_61 = vector.multi_reduction <add>, %mul3A_59, %reduce_sum3A_60 [1] : vector<1024x64xf32> to vector<1024xf32>
      %broadcast_in_dim3A_62 = vector.shape_cast %reduce_sum3A_61 : vector<1024xf32> to vector<1024x1xf32>
      %swap3A_63 = arith.constant 0 : index
      %swap3A_64 = arith.constant 0 : index
      %swap3A_65 = vector.load %arg6[%swap3A_63, %swap3A_64] : memref<1024x1xf32, #tpu.memory_space<vmem>>, vector<1024x1xf32>
      tpu.vector_store %arg6[%swap3A_63, %swap3A_64], %broadcast_in_dim3A_62 {strides = array<i32>} : memref<1024x1xf32, #tpu.memory_space<vmem>>, vector<1024x1xf32>,
      %iota3A = tpu.iota {dimensions = array<i32: 0>} : vector<1024x1xi32>
      %convert_element_type3A_66 = arith.sitofp %iota3A : vector<1024x1xi32> to vector<1024x1xf32>
      %swap3A_67 = arith.constant 0 : index
      %swap3A_68 = arith.constant 0 : index
      %swap3A_69 = vector.load %arg7[%swap3A_67, %swap3A_68] : memref<1024x1xf32, #tpu.memory_space<vmem>>, vector<1024x1xf32>
      tpu.vector_store %arg7[%swap3A_67, %swap3A_68], %convert_element_type3A_66 {strides = array<i32>} : memref<1024x1xf32, #tpu.memory_space<vmem>>, vector<1024x1xf32>,
      %broadcast_in_dim3A_70 = arith.constant 0.000000e+00 : f32
      %broadcast_in_dim3A_71 = vector.broadcast %broadcast_in_dim3A_70 : f32 to vector<1x1xf32>
      %swap3A_72 = arith.constant 0 : index
      %swap3A_73 = arith.constant 0 : index
      %swap3A_74 = vector.load %arg8[%swap3A_72, %swap3A_73] : memref<1x1xf32, #tpu.memory_space<vmem>>, vector<1x1xf32>
      tpu.vector_store %arg8[%swap3A_72, %swap3A_73], %broadcast_in_dim3A_71 {strides = array<i32>} : memref<1x1xf32, #tpu.memory_space<vmem>>, vector<1x1xf32>,
    } else {
    }
    %get3A_4 = arith.constant 0 : index
    %get3A_5 = arith.constant 0 : index
    %get3A_6 = vector.load %arg1[%get3A_4, %get3A_5] : memref<64x9216xf32, #tpu.memory_space<vmem>>, vector<64x9216xf32>
    %mul3A = arith.mulf %get3A_6, %get3A_6 : vector<64x9216xf32>
    %reduce_sum3A = arith.constant dense<0.000000e+00> : vector<9216xf32>
    %reduce_sum3A_7 = vector.multi_reduction <add>, %mul3A, %reduce_sum3A [0] : vector<64x9216xf32> to vector<9216xf32>
    %broadcast_in_dim3A = vector.shape_cast %reduce_sum3A_7 : vector<9216xf32> to vector<1x9216xf32>
    %add3A = arith.addf %get3A_1, %get3A_1 : vector<1024x64xf32>
    %dot_general3A = arith.constant dense<0.000000e+00> : vector<1024x9216xf32>
    %dot_general3A_8 = tpu.matmul %add3A, %get3A_6, %dot_general3A {dimension_numbers = #tpu.dot_dimension_numbers<[1], [0], [0], [1], [0, 0, 1, 1], [], []>, transpose_lhs_hint = false} : vector<1024x64xf32>, vector<64x9216xf32>, vector<1024x9216xf32> -> vector<1024x9216xf32>
    %get3A_9 = arith.constant 0 : index
    %get3A_10 = arith.constant 0 : index
    %get3A_11 = vector.load %arg6[%get3A_9, %get3A_10] : memref<1024x1xf32, #tpu.memory_space<vmem>>, vector<1024x1xf32>
    %add3A_12 = vector.broadcast %broadcast_in_dim3A : vector<1x9216xf32> to vector<1024x9216xf32>
    %add3A_13 = vector.broadcast %get3A_11 : vector<1024x1xf32> to vector<1024x9216xf32>
    %add3A_14 = arith.addf %add3A_12, %add3A_13 : vector<1024x9216xf32>
    %sub3A = arith.subf %add3A_14, %dot_general3A_8 : vector<1024x9216xf32>
    %reduce_min3A = arith.constant dense<0x7F800000> : vector<9216xf32>
    %reduce_min3A_15 = vector.multi_reduction <minimumf>, %sub3A, %reduce_min3A [0] : vector<1024x9216xf32> to vector<9216xf32>
    %broadcast_in_dim3A_16 = vector.shape_cast %reduce_min3A_15 : vector<9216xf32> to vector<1x9216xf32>
    %get3A_17 = arith.constant 0 : index
    %get3A_18 = arith.constant 0 : index
    %get3A_19 = vector.load %arg7[%get3A_17, %get3A_18] : memref<1024x1xf32, #tpu.memory_space<vmem>>, vector<1024x1xf32>
    %broadcast_in_dim3A_20 = arith.constant 0.000000e+00 : f32
    %broadcast_in_dim3A_21 = vector.broadcast %broadcast_in_dim3A_20 : f32 to vector<1024x9216xf32>
    %add3A_22 = vector.broadcast %get3A_19 : vector<1024x1xf32> to vector<1024x9216xf32>
    %add3A_23 = arith.addf %add3A_22, %broadcast_in_dim3A_21 : vector<1024x9216xf32>
    %eq3A_24 = vector.broadcast %broadcast_in_dim3A_16 : vector<1x9216xf32> to vector<1024x9216xf32>
    %eq3A_25 = arith.cmpf oeq, %sub3A, %eq3A_24 : vector<1024x9216xf32>
    %jit3A = arith.constant 1.024000e+03 : f32
    %broadcast_in_dim3A_26 = vector.broadcast %jit3A : f32 to vector<1024x9216xf32>
    %select_n3A = arith.select %eq3A_25, %add3A_23, %broadcast_in_dim3A_26 : vector<1024x9216xi1>, vector<1024x9216xf32>
    %reduce_min3A_27 = arith.constant dense<0x7F800000> : vector<9216xf32>
    %reduce_min3A_28 = vector.multi_reduction <minimumf>, %select_n3A, %reduce_min3A_27 [0] : vector<1024x9216xf32> to vector<9216xf32>
    %broadcast_in_dim3A_29 = vector.shape_cast %reduce_min3A_28 : vector<9216xf32> to vector<1x9216xf32>
    %convert_element_type3A_30 = arith.fptosi %broadcast_in_dim3A_29 : vector<1x9216xf32> to vector<1x9216xi32>
    %reshape3A = vector.shape_cast %convert_element_type3A_30 : vector<1x9216xi32> to vector<9216xi32>
    %swap3A = arith.constant 0 : index
    %swap3A_31 = vector.load %arg4[%swap3A] : memref<9216xi32, #tpu.memory_space<vmem>>, vector<9216xi32>
    tpu.vector_store %arg4[%swap3A], %reshape3A {strides = array<i32>} : memref<9216xi32, #tpu.memory_space<vmem>>, vector<9216xi32>,
    %eq3A_32 = vector.broadcast %broadcast_in_dim3A_29 : vector<1x9216xf32> to vector<1024x9216xf32>
    %eq3A_33 = arith.cmpf oeq, %add3A_23, %eq3A_32 : vector<1024x9216xf32>
    %jit3A_34 = arith.constant 1.000000e+00 : f32
    %jit3A_35 = arith.constant 0.000000e+00 : f32
    %broadcast_in_dim3A_36 = vector.broadcast %jit3A_34 : f32 to vector<1024x9216xf32>
    %broadcast_in_dim3A_37 = vector.broadcast %jit3A_35 : f32 to vector<1024x9216xf32>
    %select_n3A_38 = arith.select %eq3A_33, %broadcast_in_dim3A_36, %broadcast_in_dim3A_37 : vector<1024x9216xi1>, vector<1024x9216xf32>
    %dot_general3A_39 = arith.constant dense<0.000000e+00> : vector<64x9216xf32>
    %dot_general3A_40 = tpu.matmul %get3A_1, %select_n3A_38, %dot_general3A_39 {dimension_numbers = #tpu.dot_dimension_numbers<[0], [0], [1], [1], [0, 1, 1, 1], [], []>, transpose_lhs_hint = false} : vector<1024x64xf32>, vector<1024x9216xf32>, vector<64x9216xf32> -> vector<64x9216xf32>
    %swap3A_41 = arith.constant 0 : index
    %swap3A_42 = arith.constant 0 : index
    %swap3A_43 = vector.load %arg3[%swap3A_41, %swap3A_42] : memref<64x9216xf32, #tpu.memory_space<vmem>>, vector<64x9216xf32>
    tpu.vector_store %arg3[%swap3A_41, %swap3A_42], %dot_general3A_40 {strides = array<i32>} : memref<64x9216xf32, #tpu.memory_space<vmem>>, vector<64x9216xf32>,
    %get3A_44 = arith.constant 0 : index
    %get3A_45 = arith.constant 0 : index
    %get3A_46 = vector.load %arg8[%get3A_44, %get3A_45] : memref<1x1xf32, #tpu.memory_space<vmem>>, vector<1x1xf32>
    %reduce_sum3A_47 = arith.constant dense<0.000000e+00> : vector<1xf32>
    %reduce_sum3A_48 = vector.multi_reduction <add>, %broadcast_in_dim3A_16, %reduce_sum3A_47 [1] : vector<1x9216xf32> to vector<1xf32>
    %broadcast_in_dim3A_49 = vector.shape_cast %reduce_sum3A_48 : vector<1xf32> to vector<1x1xf32>
    %add3A_50 = arith.addf %get3A_46, %broadcast_in_dim3A_49 : vector<1x1xf32>
    %swap3A_51 = arith.constant 0 : index
    %swap3A_52 = arith.constant 0 : index
    %swap3A_53 = vector.load %arg8[%swap3A_51, %swap3A_52] : memref<1x1xf32, #tpu.memory_space<vmem>>, vector<1x1xf32>
    tpu.vector_store %arg8[%swap3A_51, %swap3A_52], %add3A_50 {strides = array<i32>} : memref<1x1xf32, #tpu.memory_space<vmem>>, vector<1x1xf32>,
    %eq3A_54 = arith.constant 3 : i32
    %eq3A_55 = arith.cmpi eq, %arg0, %eq3A_54 : i32
    %convert_element_type3A_56 = arith.extui %eq3A_55 : i1 to i32
    %cond3A_57 = arith.constant 0 : i32
    %cond3A_58 = arith.cmpi ne, %convert_element_type3A_56, %cond3A_57 : i32
    scf.if %cond3A_58 {
      %get3A_59 = arith.constant 0 : index
      %get3A_60 = arith.constant 0 : index
      %get3A_61 = vector.load %arg8[%get3A_59, %get3A_60] : memref<1x1xf32, #tpu.memory_space<vmem>>, vector<1x1xf32>
      %mul3A_62 = arith.constant 4.23855255E-7 : f32
      %mul3A_63 = vector.broadcast %mul3A_62 : f32 to vector<1x1xf32>
      %mul3A_64 = arith.mulf %get3A_61, %mul3A_63 : vector<1x1xf32>
      %mul3A_65 = arith.constant 2.500000e-01 : f32
      %mul3A_66 = vector.broadcast %mul3A_65 : f32 to vector<1x1xf32>
      %mul3A_67 = arith.mulf %mul3A_66, %mul3A_64 : vector<1x1xf32>
      %add3A_68 = arith.addf %mul3A_64, %mul3A_67 : vector<1x1xf32>
      %swap3A_69 = arith.constant 0 : index
      %swap3A_70 = arith.constant 0 : index
      %swap3A_71 = vector.load %arg5[%swap3A_69, %swap3A_70] : memref<1x1xf32, #tpu.memory_space<vmem>>, vector<1x1xf32>
      tpu.vector_store %arg5[%swap3A_69, %swap3A_70], %add3A_68 {strides = array<i32>} : memref<1x1xf32, #tpu.memory_space<vmem>>, vector<1x1xf32>,
    } else {
    }
    return
  }
  func.func @transform_0(%arg0: i32) -> (i32, i32) {
    %c0_i32 = arith.constant 0 : i32
    %c0_i32_0 = arith.constant 0 : i32
    return %c0_i32, %arg0 : i32, i32
  }
  func.func @transform_1(%arg0: i32) -> (i32, i32) {
    %c0_i32 = arith.constant 0 : i32
    %c0_i32_0 = arith.constant 0 : i32
    %c0_i32_1 = arith.constant 0 : i32
    return %c0_i32, %c0_i32_0 : i32, i32
  }
  func.func @transform_2(%arg0: i32) -> (i32, i32) {
    %c0_i32 = arith.constant 0 : i32
    %c0_i32_0 = arith.constant 0 : i32
    return %c0_i32, %arg0 : i32, i32
  }
  func.func @transform_3(%arg0: i32) -> i32 {
    %c0_i32 = arith.constant 0 : i32
    return %arg0 : i32
  }
  func.func @transform_4(%arg0: i32) -> (i32, i32) {
    %c0_i32 = arith.constant 0 : i32
    %c0_i32_0 = arith.constant 0 : i32
    %c0_i32_1 = arith.constant 0 : i32
    return %c0_i32, %c0_i32_0 : i32, i32
  }
}

</mosaic_0001>

<sc_bundles>
// kernel: kernel.5.cloned.1.call-start
scs
__scs_entry_jumppad:
0x0: {  	(pc) =	sbr.rel $0x88, $3  }
0x1: {  	(tag) =	ssettag $0x0;
	lr =	simm.s32 $0x1  }
0x2: {  	[smem:$0x3F9F] =	sst lr;
	_ =	strace $0xD0000000  }
0x3: {  	_ = 	snop  }
0x4: {  	_ = 	snop  }
0x5: {  	_ = 	snop  }
0x6: {  	_ = 	snop  }
0x7: {  	_ = 	snop  }
__scs_overlays_trampoline_lowered:
0x8: {  	[smem:$0x3FAE] =	sst s0  }
0x9: {  	[smem:$0x3FAF] =	sst s1  }
0xa: {  	[smem:$0x3FB0] =	sst s2  }
0xb: {  	[smem:$0x3FB1] =	sst s3  }
0xc: {  	[smem:$0x3FB2] =	sst s4  }
0xd: {  	[smem:$0x3FB3] =	sst s5  }
0xe: {  	[smem:$0x3FB4] =	sst s6  }
0xf: {  	[smem:$0x3FB5] =	sst s7  }
0x10: {  	[smem:$0x3FB6] =	sst s8  }
0x11: {  	[smem:$0x3FB7] =	sst s9;
	s0 =	simm.s32 @!p0 $0x0  }
0x12: {  	s1 =	sld [smem:$0x3F9D];
	s0 =	simm.s32 @p0 $0x1  }
0x13: {  	[smem:$0x3FB8] =	sst s0;
	s0 =	simm.s32 @!p1 $0x0  }
0x14: {  	s2 =	sld [smem:$0x3F9C];
	s0 =	simm.s32 @p1 $0x1  }
0x15: {  	[smem:$0x3FB9] =	sst s0;
	s0 =	simm.s32 @!p2 $0x0  }
0x16: {  	s3 =	sld [smem:$0x3FDB];
	s0 =	simm.s32 @p2 $0x1  }
0x17: {  	s4 =	simm.s32 $0x1BF5;
	[smem:$0x3FBB] =	sst s0  }
0x18: {  	s0 =	sld [smem:$0x3F9E];
	_ =	swait.ge [sflag:s4], $0x0  }
0x19: {  	s7 =	sld [smem:$0x3F9F]  }
0x1a: {  	s8 =	sadd.s32 $0xFFFFE003, lr  }
0x1b: {  	s9 =	sadd.s32 $0xFFFFFEF7, lr;
	s5 =	simm.s32 $0xFFFFFFFF;
	p2 =	slt.u32 s8, $0xFFFFF086  }
0x1c: {  	p1 =	slt.u32 s9, $0xF7A;
	s5 =	simm.s32 @!p2 $0x0  }
0x1d: {  	s5 =	simm.s32 @p1 $0x1;
	p0 =	seq.s32 s7, s2  }
0x1e: {  	s7 =	smul.u32 @!p0 $0xF7A, s2;
	p2 =	seq.s32 @!p0 s5, $0x0  }
0x1f: {  	s9 =	smul.u32 $0xF7A, s1;
	s8 =	simm.s32 @!p0 $0x1BF5;
	p2 =	por !p2, p0  }
0x20: {  	[sflag:s8] =	ssyncset.s32 @!p0 $0xFFFFF086;
	s6 =	sadd.s32 @!p0 s3, s7;
	s7 =	simm.s32 @!p0 $0x108  }
0x21: {  	s3 =	sadd.s32 s3, s9;
	s6 =	sadd.s32 @!p0 $0x88, s6;
	s7 =	simm.s32 @p2 $0x1082  }
0x22: {  	[simem:s7], [sflag:s8] =	dma.local @!p0 [hbm:s6], $0xF7A  }
0x23: {  	s9 =	sor.u32 $0xD0000000, s2;
	s6 =	simm.s32 $0x108;
	_ =	swait.ge @!p0 [sflag:s8], $0x0  }
0x24: {  	s3 =	sadd.s32 $0x88, s3;
	s6 =	simm.s32 @!p1 $0x1082;
	[sflag:s4] =	ssyncset.s32 $0xFFFFF086  }
0x25: {  	[simem:s6], [sflag:s4] =	dma.local [hbm:s3], $0xF7A  }
0x26: {  	[smem:$0x3F9F] =	sst s1;
	(tag) =	ssettag s2;
	_ =	strace s9  }
0x27: {  	s1 =	sld [smem:$0x3FAF]  }
0x28: {  	s2 =	sld [smem:$0x3FB0]  }
0x29: {  	s4 =	sld [smem:$0x3FB2]  }
0x2a: {  	p0 =	seq.s32 s5, $0x0;
	s5 =	sld [smem:$0x3FB3]  }
0x2b: {  	s6 =	sld [smem:$0x3FB4]  }
0x2c: {  	s7 =	sld [smem:$0x3FB5]  }
0x2d: {  	s3 =	simm.s32 $0x108;
	s8 =	sld [smem:$0x3FB6]  }
0x2e: {  	s3 =	simm.s32 @!p0 $0x1082;
	s9 =	sld [smem:$0x3FB7]  }
0x2f: {  	lr =	sadd.s32 s0, s3;
	s0 =	sld [smem:$0x3FAE]  }
0x30: {  	s3 =	sld [smem:$0x3FB1]  }
0x31: {  	[smem:$0x3FBA] =	sst s10  }
0x32: {  	s10 =	sld [smem:$0x3FB8];
	_ =	sdelay $0x3  }
0x33: {  	p0 =	seq.s32 s10, $0x1;
	s10 =	sld [smem:$0x3FBA];
	_ =	sdelay $0x3  }
0x34: {  	[smem:$0x3FBA] =	sst s10  }
0x35: {  	s10 =	sld [smem:$0x3FB9];
	_ =	sdelay $0x3  }
0x36: {  	p1 =	seq.s32 s10, $0x1;
	s10 =	sld [smem:$0x3FBA];
	_ =	sdelay $0x3  }
0x37: {  	[smem:$0x3FBA] =	sst s10  }
0x38: {  	s10 =	sld [smem:$0x3FBB]  }
0x39: {  	_ = 	snop;
	(pc) =	sbr.ind lr, $3  }
0x3a: {  	_ = 	snop  }
0x3b: {  	_ = 	snop  }
0x3c: {  	p2 =	seq.s32 s10, $0x1;
	s10 =	sld [smem:$0x3FBA]  }
0x3d: {  	_ =	shalt  }
0x3e: {  	_ =	shalt  }
0x3f: {  	_ =	shalt  }
0x40: {  	_ =	shalt  }
0x41: {  	_ =	shalt  }
0x42: {  	_ =	shalt  }
0x43: {  	_ =	shalt  }
0x44: {  	_ =	shalt  }
0x45: {  	_ =	shalt  }
0x46: {  	_ =	shalt  }
0x47: {  	_ =	shalt  }
0x48: {  	_ =	shalt  }
0x49: {  	_ =	shalt  }
0x4a: {  	_ =	shalt  }
0x4b: {  	_ =	shalt  }
0x4c: {  	_ =	shalt  }
0x4d: {  	_ =	shalt  }
0x4e: {  	_ =	shalt  }
0x4f: {  	_ =	shalt  }
0x50: {  	_ =	shalt  }
0x51: {  	_ =	shalt  }
0x52: {  	_ =	shalt  }
0x53: {  	_ =	shalt  }
0x54: {  	_ =	shalt  }
0x55: {  	_ =	shalt  }
0x56: {  	_ =	shalt  }
0x57: {  	_ =	shalt  }
0x58: {  	_ =	shalt  }
0x59: {  	_ =	shalt  }
0x5a: {  	_ =	shalt  }
0x5b: {  	_ =	shalt  }
0x5c: {  	_ =	shalt  }
0x5d: {  	_ =	shalt  }
0x5e: {  	_ =	shalt  }
0x5f: {  	_ =	shalt  }
0x60: {  	_ =	shalt  }
0x61: {  	_ =	shalt  }
0x62: {  	_ =	shalt  }
0x63: {  	_ =	shalt  }
0x64: {  	_ =	shalt  }
0x65: {  	_ =	shalt  }
0x66: {  	_ =	shalt  }
0x67: {  	_ =	shalt  }
0x68: {  	_ =	shalt  }
0x69: {  	_ =	shalt  }
0x6a: {  	_ =	shalt  }
0x6b: {  	_ =	shalt  }
0x6c: {  	_ =	shalt  }
0x6d: {  	_ =	shalt  }
0x6e: {  	_ =	shalt  }
0x6f: {  	_ =	shalt  }
0x70: {  	_ =	shalt  }
0x71: {  	_ =	shalt  }
0x72: {  	_ =	shalt  }
0x73: {  	_ =	shalt  }
0x74: {  	_ =	shalt  }
0x75: {  	_ =	shalt  }
0x76: {  	_ =	shalt  }
0x77: {  	_ =	shalt  }
0x78: {  	_ =	shalt  }
0x79: {  	_ =	shalt  }
0x7a: {  	_ =	shalt  }
0x7b: {  	_ =	shalt  }
0x7c: {  	_ =	shalt  }
0x7d: {  	_ =	shalt  }
0x7e: {  	_ =	shalt  }
0x7f: {  	_ =	shalt  }
0x80: {  	_ =	shalt  }
0x81: {  	_ =	shalt  }
0x82: {  	_ =	shalt  }
0x83: {  	_ =	shalt  }
0x84: {  	_ =	shalt  }
0x85: {  	_ =	shalt  }
0x86: {  	_ =	shalt  }
0x87: {  	_ =	shalt  }
.Lfunc_end0:
.L_simem_size_0:
called_computation_lowered:
.L_overlay_start_0:
0x88: {  	s2 =	sld [smem:$0x3FD9]  }
0x89: {  	s3 =	sld [smem:$0x3FFE];
	_ =	sdelay $0x1  }
0x8a: {  	s1 =	srdreg.scid  }
0x8b: {  	s0 =	sand.u32 $0x1, s1  }
0x8c: {  	s14 =	sshll.u32 s0, $0xA;
	s2 =	sadd.s32 s3, s2  }
0x8d: {  	s2 =	sadd.s32 s2, s14  }
0x8e: {  	[smem:$0x3FC6] =	sst s2  }
0x8f: {  	_ = 	snop  }
0x90: {  	s2 =	sld [smem:$0x3FD0];
	_ =	sdelay $0x2  }
0x91: {  	s15 =	simm.s32 $0xA;
	s4 =	simm.s32 $0x10  }
0x92: {  	[smem:s4], [sflag:s15] =	dma.local [hbm:s2], $0x1  }
0x93: {  	_ =	swait.eq [sflag:s15], $0x1  }
0x94: {  	[sflag:s15] =	ssyncset.done $0x0  }
0x95: {  	[sflag:s15] =	ssyncadd.s32 $0xFFFFFFFF  }
0x96: {  	s16 =	sld [smem:$0x13];
	(tm) =	ssettm $0x1  }
0x97: {  	s17 =	sld [smem:$0x3FFB];
	_ =	sdelay $0x3  }
0x98: {  	_ =	strace s17  }
0x99: {  	s3 =	sld [smem:$0x3FFC];
	_ =	sdelay $0x3  }
0x9a: {  	_ =	strace s3  }
0x9b: {  	s3 =	sld [smem:$0x3FFD];
	_ =	sdelay $0x3  }
0x9c: {  	_ =	strace s3  }
0x9d: {  	_ =	strace $0x8FFFFFFF  }
0x9e: {  	s18 =	sld [smem:$0x3FDB];
	_ =	sdelay $0x1  }
0x9f: {  	s19 =	simm.s32 $_scs_section_size  }
0xa0: {  	s5 =	simm.s32 $_size__tile_overlayer_lowered;
	s6 =	simm.s32 $_tile_overlayer_lowered  }
0xa1: {  	s22 =	simm.s32 $0x1BFF;
	s21 =	sshll.u32 s6, $0x1;
	s3 =	sadd.s32 s19, s18  }
0xa2: {  	s7 =	simm.s32 $0x0;
	s20 =	sshll.u32 s5, $0x1;
	s5 =	sadd.s32 s21, s3  }
0xa3: {  	[timem:s7], [sflag:s22] =	dma.local [hbm:s5], s20  }
0xa4: {  	_ =	swait.ge [sflag:s22], s20  }
0xa5: {  	s4 =	ssub.s32 $0x0, s20;
	[sflag:s22] =	ssyncset.done $0x0  }
0xa6: {  	[sflag:s22] =	ssyncadd.s32 s4;
	_ =	sdelay $0x1  }
0xa7: {  	s23 =	simm.s32 $0x1B8B  }
0xa8: {  	_ =	swait.ge [sflag:s23], $0x1  }
0xa9: {  	[sflag:s23] =	ssyncset.done $0x0  }
0xaa: {  	s25 =	simm.s32 $0x1B8E;
	s24 =	sld [smem:$0x3FFE];
	[sflag:s23] =	ssyncadd.s32 $0xFFFFFFFF  }
0xab: {  	s26 =	simm.s32 $execute0_lowered;
	[smem:$0x3FD2] =	sst s25  }
0xac: {  	s5 =	sshll.u32 s26, $0x1;
	_ =	strace $0x80000046;
	[dreg:$0x1] =	wrdreg $0xFFFFFFFF  }
0xad: {  	s28 =	simm.s32 $_size_execute0_lowered;
	s3 =	sadd.s32 s3, s5;
	[dreg:$0x0] =	wrdreg $0x0  }
0xae: {  	s5 =	sshll.u32 s28, $0x1;
	[dreg:$0x2] =	wrdreg s3  }
0xaf: {  	[dreg:$0x3] =	wrdreg s5  }
0xb0: {  	[dreg:$0x4] =	wrdreg $0xC0  }
0xb1: {  	_ =	task [dreg:s7], $0x5FFFF  }
0xb2: {  	[dreg:$0x1] =	wrdreg $0xFFFFFFFF  }
0xb3: {  	[dreg:$0x0] =	wrdreg $0x60  }
0xb4: {  	[dreg:$0x2] =	wrdreg s16  }
0xb5: {  	[dreg:$0x3] =	wrdreg s24  }
0xb6: {  	[dreg:$0x4] =	wrdreg $0x9  }
0xb7: {  	_ =	task.clear_ibuf [dreg:s7], $0x5FFFF;
	_ =	strace $0x90000046  }
0xb8: {  	s29 =	simm.s32 $0x9;
	_ =	strace $0x80000048  }
0xb9: {  	_ =	swait.ge [sflag:s29], $0x1  }
0xba: {  	[sflag:s29] =	ssyncadd.s32 $0xFFFFFFFF  }
0xbb: {  	_ =	strace $0x90000048  }
0xbc: {  	_ =	sfence  }
0xbd: {  	s30 =	sld [smem:$0x0];
	_ =	sdelay $0x2  }
0xbe: {  	s31 =	sshll.u32 s1, $0xD;
	s1 =	sshrl.u32 s1, $0x2  }
0xbf: {  	s3 =	sand.u32 $0x4000, s31;
	s1 =	sadd.s32 s1, s30  }
0xc0: {  	s0 =	sor.u32 s3, s0;
	s1 =	sshll.u32 s1, $0x11  }
0xc1: {  	s0 =	sor.u32 s1, s0  }
0xc2: {  	s0 =	sadd.s32 $0x8F2B, s0  }
0xc3: {  	[sflag:s0] =	ssyncadd.remote.s32 $0x1  }
0xc4: {  	_ =	sfence.sel $0xFFFF  }
0xc5: {  	[dreg:$0x0] =	wrdreg $0xFFFFFFFF;
	(pc) =	sbr.abs _section_cstart, $3  }
0xc6: {  	[dreg:$0x1] =	wrdreg $0xFFFFFFFF  }
0xc7: {  	_ =	task.clear_ibuf [dreg:s7], $0x2FFFF;
	_ =	strace $0x9FFFFFFF  }
0xc8: {  	(tm) =	ssettm $0x7FFFFFFF  }
0xc9: {  	_ =	shalt  }
tec
execute0_lowered:
.L_overlay_start_1:
0x0: {  	(tag) =	ssettag $0x1  }
0x1: {  	s3 =	rddreg [dreg:$0x0]  }
0x2: {  	s4 =	rddreg [dreg:$0x1]  }
0x3: {  	s0 =	rddreg [dreg:$0x2]  }
0x4: {  	s5 =	srdreg.scid;
	s1 =	stileid.u32  }
0x5: {  	s2 =	simm.s32 $0x0;
	s5 =	sand.u32 $0x1, s5;
	s6 =	sshll.u32 s1, $0x1  }
0x6: {  	[smem:$0x7FF] =	sst s2;
	s6 =	sor.u32 s5, s6;
	s5 =	ssub.s32 $0x2, s5  }
0x7: {  	s7 =	sshll.u32 s6, $0x7;
	s8 =	sshrl.u32 s5, $0x1;
	s6 =	smul.u32 $0x90, s6  }
0x8: {  	_ =	strace $0x80000047;
	s4 =	sadd.s32 s7, s4;
	s5 =	ssub.s32 s5, s8  }
0x9: {  	s7 =	simm.s32 $0x480;
	s8 =	simm.s32 $0x0;
	s3 =	sadd.s32 s3, s6  }
0xa: {  	v0 =	vimm.f32 $0.0e+00;
	v1 =	vimm.f32 $1.000000000e+00;
	s4 =	sadd.s32 $0x600, s4;
	s5 =	smax.u32 s5, $0x1;
	s6 =	simm.s32 $0x1  }
.LBB2_1:
0xb: {  	[tilespmem:s2], [sflag:$0x1] =	stream.linear.gather [hbm4b:s3+s2], $0x480, $0x38;
	[tilespmem:$0x880] =	vst v63  }
0xc: {  	_ =	swait.ge [sflag:s6], $0x480  }
0xd: {  	[sflag:s6] =	ssyncset.done $0x0  }
0xe: {  	s9 =	simm.s32 $0x0;
	[sflag:s6] =	ssyncadd.s32 $0xFFFFFB80  }
.LBB2_2:
0xf: {  	p0 =	sne.s32 s9, $0xFC0  }
.Ltmp0:
0x10: {  	_ = 	snop;
	(pc) =	sbr.rel @p0 .LBB2_2-.Ltmp0, $3  }
0x11: {  	_ =	sdelay $0x1  }
0x12: {  	s10 =	sshra.s32 s9, $0x2  }
0x13: {  	s9 =	sadd.s32 $0x40, s9;
	[tilespmem:s10+$0x480] =	vst v0  }
0x14: {  	s10 =	simm.s32 $0x0;
	s9 =	simm.s32 $0x40  }
.LBB2_4:
0x15: {  	p0 =	sne.s32 s9, $0x11C0;
	v2 =	vld [tilespmem:s10+$0x0];
	_ =	sdelay $0x3  }
.Ltmp1:
0x16: {  	(pc) =	sbr.rel @p0 .LBB2_4-.Ltmp1, $2  }
0x17: {  	_ =	sdelay $0x2  }
0x18: {  	s10 =	sshra.s32 s9, $0x2;
	s9 =	sadd.s32 $0x40, s9;
	[tilespmem:v2+s7+$0x0] =	vst.idx.add.f32.msk $0xffff, v1  }
0x19: {  	v2 =	vld [tilespmem:s10+$0x0];
	_ =	sdelay $0x5  }
0x1a: {  	s8 =	sadd.s32 $0x1, s8  }
0x1b: {  	p0 =	sne.s32 s8, s5  }
.Ltmp2:
0x1c: {  	[tilespmem:v2+s7+$0x0] =	vst.idx.add.f32.msk $0xffff, v1;
	(pc) =	sbr.rel @p0 .LBB2_1-.Ltmp2, $4  }
0x1d: {  	[hbm4b:s4+s2] =	stream.linear.scatter [tilespmem:s7], [sflag:$0x1], $0x400, $0x38;
	[tilespmem:$0x880] =	vst v63  }
0x1e: {  	_ =	swait.ge [sflag:s6], $0x400  }
0x1f: {  	[sflag:s6] =	ssyncset.done $0x0  }
0x20: {  	[sflag:s6] =	ssyncadd.s32 $0xFFFFFC00  }
0x21: {  	_ =	sfence.sel $0x180000  }
0x22: {  	[bflag:$0x0] =	sbarrier.arrive $0xFFFF  }
0x23: {  	p0 =	sne.s32 s1, $0x0;
	_ =	strace $0x90000047  }
0x24: {  	s0 =	sadd.s32 @!p0 $0x100000, s0;
	[bflag:$0x2] =	sbarrier.arrive $0xFFFF  }
0x25: {  	[sflag:s0] =	ssyncadd.tile.s32 @!p0 $0x1;
	_ =	shalt  }
.Lfunc_end2:
_tile_overlayer_lowered:
.L_overlay_start_2:
0x26: {  	(tag) =	ssettag $0x2  }
0x27: {  	s0 =	rddreg [dreg:$0x0];
	s2 =	stileid.u32  }
0x28: {  	s1 =	rddreg [dreg:$0x1];
	p0 =	sne.s32 s2, $0x0  }
0x29: {  	s3 =	rddreg [dreg:$0x2];
	[bflag:$0x3] =	sbarrier.arrive $0xFFFF;
	s2 =	simm.s32 @!p0 $0x1C01  }
0x2a: {  	[timem:s3], [sflag:s2] =	dma.local @!p0 [hbm:s0], s1  }
0x2b: {  	s0 =	simm.s32 @!p0 $0x1  }
0x2c: {  	_ =	swait.ge @!p0 [sflag:s0], s1  }
0x2d: {  	s1 =	ssub.s32 @!p0 $0x0, s1;
	[sflag:s0] =	ssyncset.done @!p0 $0x0  }
0x2e: {  	[sflag:s0] =	ssyncadd.s32 @!p0 s1  }
0x2f: {  	[bflag:$0x3] =	sbarrier.arrive $0xFFFF  }
0x30: {  	_ =	shalt  }

</sc_bundles>
